<compile_context>
chip_gen: v7x
topology: tpu7x:2x2x1
jax: 0.10.2.dev20260603
libtpu: 0.0.44.dev20260713+nightly
codegen_flags: <defaults>
</compile_context>

<pallas_src>
import jax
import jax.numpy as jnp
from jax import lax
from jax.experimental import pallas as pl
from jax.experimental.pallas import tpu as pltpu
from jax.experimental.pallas import tpu_sc as plsc

_N = 10000
_H2 = 64
_E = 160000

_NC = 2
_NS = 16
_NW = _NC * _NS
_CHUNK = 128
_NCHUNK = 40
_EPAD = _NW * _NCHUNK * _CHUNK

_BM = 400


def _rows_mm_kernel(x_ref, w_ref, o_ref):
    o_ref[...] = jnp.dot(
        x_ref[...], w_ref[...],
        preferred_element_type=jnp.float32).astype(o_ref.dtype)


def _rows_mm(x, w, bm, out_dtype=jnp.float32):
    n, k = x.shape
    m = w.shape[1]
    return pl.pallas_call(
        _rows_mm_kernel,
        grid=(n // bm,),
        in_specs=[
            pl.BlockSpec((bm, k), lambda i: (i, 0)),
            pl.BlockSpec((k, m), lambda i: (0, 0)),
        ],
        out_specs=pl.BlockSpec((bm, m), lambda i: (i, 0)),
        out_shape=jax.ShapeDtypeStruct((n, m), out_dtype),
        compiler_params=pltpu.CompilerParams(
            dimension_semantics=("parallel",),
        ),
    )(x, w)


def _h1q_kernel(a_ref, p_ref, w23_ref, q_ref):
    h1 = jnp.maximum(
        jnp.dot(a_ref[...].astype(jnp.bfloat16), p_ref[...],
                preferred_element_type=jnp.float32), 0.0)
    q_ref[...] = jnp.dot(
        h1.astype(jnp.bfloat16), w23_ref[...],
        preferred_element_type=jnp.float32).astype(jnp.bfloat16)


def _h1q_mm(adj, p, w23):
    n = adj.shape[0]
    m = p.shape[1]
    mq = w23.shape[1]
    return pl.pallas_call(
        _h1q_kernel,
        grid=(n // _BM,),
        in_specs=[
            pl.BlockSpec((_BM, n), lambda i: (i, 0)),
            pl.BlockSpec((n, m), lambda i: (0, 0)),
            pl.BlockSpec((m, mq), lambda i: (0, 0)),
        ],
        out_specs=pl.BlockSpec((_BM, mq), lambda i: (i, 0)),
        out_shape=jax.ShapeDtypeStruct((n, mq), jnp.bfloat16),
        compiler_params=pltpu.CompilerParams(
            dimension_semantics=("parallel",),
        ),
    )(adj, p, w23)


def _tail_kernel(a_ref, q_ref, eps_ref, a1w_ref, a1b_ref, a2w_ref, a2b_ref,
                 mu_ref, lv_ref, z_ref, adv_ref):
    acc = jnp.dot(a_ref[...].astype(jnp.bfloat16), q_ref[...],
                  preferred_element_type=jnp.float32)
    mu = acc[:, :_H2]
    lv = acc[:, _H2:]
    z = eps_ref[...] * jnp.exp(lv) + mu
    mu_ref[...] = mu
    lv_ref[...] = lv
    z_ref[...] = z
    hidden = jnp.maximum(
        jnp.dot(z, a1w_ref[...], preferred_element_type=jnp.float32)
        + a1b_ref[...], 0.0)
    adv_ref[...] = (
        jnp.dot(hidden, a2w_ref[...], preferred_element_type=jnp.float32)
        + a2b_ref[...])


def _tail_mm(adj, q, eps, a1w, a1b, a2w, a2b):
    n = adj.shape[0]
    out_shapes = (
        jax.ShapeDtypeStruct((n, _H2), jnp.float32),
        jax.ShapeDtypeStruct((n, _H2), jnp.float32),
        jax.ShapeDtypeStruct((n, _H2), jnp.float32),
        jax.ShapeDtypeStruct((n, 1), jnp.float32),
    )
    out_spec = pl.BlockSpec((_BM, _H2), lambda i: (i, 0))
    return pl.pallas_call(
        _tail_kernel,
        grid=(n // _BM,),
        in_specs=[
            pl.BlockSpec((_BM, n), lambda i: (i, 0)),
            pl.BlockSpec((n, 2 * _H2), lambda i: (0, 0)),
            pl.BlockSpec((_BM, _H2), lambda i: (i, 0)),
            pl.BlockSpec((_H2, _H2), lambda i: (0, 0)),
            pl.BlockSpec((1, _H2), lambda i: (0, 0)),
            pl.BlockSpec((_H2, 1), lambda i: (0, 0)),
            pl.BlockSpec((1, 1), lambda i: (0, 0)),
        ],
        out_specs=(out_spec, out_spec, out_spec,
                   pl.BlockSpec((_BM, 1), lambda i: (i, 0))),
        out_shape=out_shapes,
        compiler_params=pltpu.CompilerParams(
            dimension_semantics=("parallel",),
        ),
    )(adj, q, eps, a1w, a1b, a2w, a2b)


def _recov_kernel(zi_ref, zt_ref, o_ref):
    o_ref[...] = jnp.dot(zi_ref[...].astype(jnp.bfloat16),
                         zt_ref[...].astype(jnp.bfloat16),
                         preferred_element_type=jnp.float32)


def _recov_mm(z, zt):
    n = z.shape[0]
    return pl.pallas_call(
        _recov_kernel,
        grid=(n // _BM,),
        in_specs=[
            pl.BlockSpec((_BM, _H2), lambda i: (i, 0)),
            pl.BlockSpec((_H2, n), lambda i: (0, 0)),
        ],
        out_specs=pl.BlockSpec((_BM, n), lambda i: (i, 0)),
        out_shape=jax.ShapeDtypeStruct((n, n), jnp.float32),
        compiler_params=pltpu.CompilerParams(
            dimension_semantics=("parallel",),
        ),
    )(z, zt)


_DEPTH = 8


def _link_body(recov_hbm, idx_hbm, out_hbm, idxs, vals, sem_g):
    wid = lax.axis_index("s") * _NC + lax.axis_index("c")

    pltpu.sync_copy(idx_hbm.at[wid], idxs)

    def chunk(c, _):
        pltpu.async_copy(recov_hbm.at[idxs.at[c]], vals.at[c], sem_g)

        @pl.when(c >= _DEPTH)
        def _():
            pltpu.make_async_copy(
                recov_hbm.at[idxs.at[0]], vals.at[0], sem_g).wait()

        return 0

    lax.fori_loop(0, _NCHUNK, chunk, 0)
    for _ in range(_DEPTH):
        pltpu.make_async_copy(recov_hbm.at[idxs.at[0]], vals.at[0], sem_g).wait()
    pltpu.sync_copy(vals, out_hbm.at[wid])


def _link_preds_sc(recov_flat, idxr):
    mesh = plsc.VectorSubcoreMesh(
        core_axis_name="c", subcore_axis_name="s",
        num_cores=_NC, num_subcores=_NS)
    k = pl.kernel(
        _link_body,
        out_type=jax.ShapeDtypeStruct((_NW, _NCHUNK, _CHUNK), jnp.float32),
        mesh=mesh,
        scratch_types=[
            pltpu.VMEM((_NCHUNK, _CHUNK), jnp.int32),
            pltpu.VMEM((_NCHUNK, _CHUNK), jnp.float32),
            pltpu.SemaphoreType.DMA,
        ],
        compiler_params=pltpu.CompilerParams(needs_layout_passes=False),
    )
    return k(recov_flat, idxr)


def kernel(feats, adj, edges, W1, W2, W3, A1w, A1b, A2w, A2b, eps):
    w23 = jnp.concatenate([W2, W3], axis=1).astype(jnp.bfloat16)
    p = _rows_mm(feats, W1, 2000, out_dtype=jnp.bfloat16)
    q = _h1q_mm(adj, p, w23)
    mu, logvar, z, adv_preds = _tail_mm(
        adj, q, eps, A1w, A1b.reshape(1, _H2), A2w, A2b.reshape(1, 1))

    recov = _recov_mm(z, z.T)

    pad = _EPAD - _E
    flat = edges[:, 0] * _N + edges[:, 1]
    flat = jnp.concatenate([flat, jnp.zeros((pad,), flat.dtype)])
    idxr = flat.astype(jnp.int32).reshape(_NW, _NCHUNK, _CHUNK)
    link = _link_preds_sc(recov.reshape(-1), idxr).reshape(-1)[:_E]

    return (recov, mu, logvar, link, adv_preds)

# --- scband reference (transcript-rebuilt; emitter-appended) ---
"""Pipeline reference for scband-fair-u-31121333027048 (READ-ONLY COPY).

The authoritative reference and input builder live on the scoring server;
editing this copy changes nothing except your own understanding.
"""

import jax, jax.numpy as jnp
import numpy as np

N = 10000
D_IN = 256
H1 = 256
H2 = 64
E = 160000


def xavier_uniform(key, shape):
    fan_in, fan_out = shape
    a = float(np.sqrt(6.0 / (fan_in + fan_out)))
    return jax.random.uniform(key, shape, minval=-a, maxval=a, dtype=jnp.float32)


def xavier_normal(key, shape):
    fan_in, fan_out = shape
    std = float(np.sqrt(2.0 / (fan_in + fan_out)))
    return std * jax.random.normal(key, shape, dtype=jnp.float32)


@jax.custom_vjp
def grad_reverse(x):
    return x

def _gr_fwd(x):
    return x, None

def _gr_bwd(_, g):
    return (-g,)

grad_reverse.defvjp(_gr_fwd, _gr_bwd)


def setup_inputs(seed: int = 0):
    key = jax.random.key(seed)
    ks = jax.random.split(key, 12)
    feats = jax.random.normal(ks[0], (N, D_IN), dtype=jnp.float32)
    # dense-materialized, approximately row-normalized adjacency (keeps activations bounded,
    # mimicking the symmetrically-normalized sparse adj used in GCN-VAE pipelines)
    adj = jax.random.uniform(ks[1], (N, N), dtype=jnp.float32) / N
    edges = jax.random.randint(ks[2], (E, 2), 0, N, dtype=jnp.int32)
    # GCN layer weights (xavier_uniform per reset_parameters)
    W1 = xavier_uniform(ks[3], (D_IN, H1))
    W2 = xavier_uniform(ks[4], (H1, H2))
    W3 = xavier_uniform(ks[5], (H1, H2))
    # adversarial net (xavier_normal weights, bias=0.1); binary sensitive -> dim_out=1
    A1w = xavier_normal(ks[6], (H2, H2))
    A1b = jnp.full((H2,), 0.1, dtype=jnp.float32)
    A2w = xavier_normal(ks[7], (H2, 1))
    A2b = jnp.full((1,), 0.1, dtype=jnp.float32)
    # reparameterization noise (torch uses randn_like; fixed key here for determinism)
    eps = jax.random.normal(ks[8], (N, H2), dtype=jnp.float32)
    return {"feats": feats, "adj": adj, "edges": edges, "W1": W1, "W2": W2, "W3": W3,
            "A1w": A1w, "A1b": A1b, "A2w": A2w, "A2b": A2b, "eps": eps}


def reference(feats, adj, edges, W1, W2, W3, A1w, A1b, A2w, A2b, eps):
    # GCNModelVAE.encode (dropout=0.0 so dropout is identity)
    h1 = jax.nn.relu(adj @ (feats @ W1))
    mu = adj @ (h1 @ W2)
    logvar = adj @ (h1 @ W3)
    # reparameterize (training=True): z = eps * exp(logvar) + mu
    z = eps * jnp.exp(logvar) + mu
    # InnerProductDecoder with act = identity
    recov = z @ z.T
    # link predictions over sampled edge pairs
    link_preds = jnp.sum(z[edges[:, 0]] * z[edges[:, 1]], axis=-1)
    # adversarial head with gradient reversal (x * 1.0 + register_hook(-grad))
    x = grad_reverse(z * 1.0)
    adv_preds = jax.nn.relu(x @ A1w + A1b) @ A2w + A2b
    return (recov, mu, logvar, link_preds, adv_preds)

if __name__ == "__main__":
    import jax
    _d = setup_inputs()
    print(jax.jit(kernel)(*tuple(_d.values())))

</pallas_src>

<mosaic_0001>
#map = affine_map<(d0, d1) -> (0)>
#map1 = affine_map<(d0, d1) -> (0, 0, 0)>
module attributes {stable_mosaic.version = 14 : i64} {
  func.func @_link_body(%arg0: i32, %arg1: i32, %arg2: memref<100000000xf32, #tpu.memory_space<hbm>>, %arg3: memref<32x40x128xi32, #tpu.memory_space<hbm>>, %arg4: memref<32x40x128xf32, #tpu.memory_space<hbm>>, %arg5: memref<40x128xi32, #tpu.memory_space<vmem>>, %arg6: memref<40x128xf32, #tpu.memory_space<vmem>>, %arg7: memref<!tpu.dma_semaphore, #tpu.memory_space<semaphore_mem>>) attributes {dimension_semantics = [#tpu.dimension_semantics<core_parallel>, #tpu.dimension_semantics<subcore_parallel>], iteration_bounds = array<i64: 2, 16>, scalar_prefetch = 0 : i64, scratch_operands = 3 : i64, tpu.core_type = #tpu.core_type<sc_vector_subcore>, window_params = [{transform_indices = #map}, {transform_indices = #map1}, {transform_indices = #map1}]} {
    %mul3A = arith.constant 2 : i32
    %mul3A_0 = arith.muli %arg1, %mul3A : i32
    %add3A = arith.addi %mul3A_0, %arg0 : i32
    "tpu.region"() ({
      %run_scoped3A = tpu.sem_alloc : memref<!tpu.dma_semaphore, #tpu.memory_space<semaphore_mem>>
      %dma_start3A = arith.constant 0 : i32
      %dma_start3A_86 = arith.constant 0 : i32
      %dma_start3A_87 = tpu.memref_slice %arg3[%add3A, %dma_start3A, %dma_start3A_86] : memref<32x40x128xi32, #tpu.memory_space<hbm>> -> memref<1x40x128xi32, #tpu.memory_space<hbm>>
      %dma_start3A_88 = tpu.memref_squeeze %dma_start3A_87 : memref<1x40x128xi32, #tpu.memory_space<hbm>> -> memref<40x128xi32, #tpu.memory_space<hbm>>
      %dma_start3A_89 = arith.constant 0 : i32
      %dma_start3A_90 = arith.constant 0 : i32
      %dma_start3A_91 = tpu.memref_slice %arg3[%add3A, %dma_start3A_89, %dma_start3A_90] : memref<32x40x128xi32, #tpu.memory_space<hbm>> -> memref<1x40x128xi32, #tpu.memory_space<hbm>>
      %dma_start3A_92 = tpu.memref_squeeze %dma_start3A_91 : memref<1x40x128xi32, #tpu.memory_space<hbm>> -> memref<40x128xi32, #tpu.memory_space<hbm>>
      tpu.enqueue_dma source(%dma_start3A_92 : memref<40x128xi32, #tpu.memory_space<hbm>>) target(%arg5 : memref<40x128xi32, #tpu.memory_space<vmem>>) target_semaphore(%run_scoped3A : memref<!tpu.dma_semaphore, #tpu.memory_space<semaphore_mem>>)
      %dma_wait3A_93 = arith.constant 0 : i32
      %dma_wait3A_94 = arith.constant 0 : i32
      %dma_wait3A_95 = tpu.memref_slice %arg3[%add3A, %dma_wait3A_93, %dma_wait3A_94] : memref<32x40x128xi32, #tpu.memory_space<hbm>> -> memref<1x40x128xi32, #tpu.memory_space<hbm>>
      %dma_wait3A_96 = tpu.memref_squeeze %dma_wait3A_95 : memref<1x40x128xi32, #tpu.memory_space<hbm>> -> memref<40x128xi32, #tpu.memory_space<hbm>>
      %dma_wait3A_97 = arith.constant 0 : i32
      %dma_wait3A_98 = arith.constant 0 : i32
      %dma_wait3A_99 = tpu.memref_slice %arg3[%add3A, %dma_wait3A_97, %dma_wait3A_98] : memref<32x40x128xi32, #tpu.memory_space<hbm>> -> memref<1x40x128xi32, #tpu.memory_space<hbm>>
      %dma_wait3A_100 = tpu.memref_squeeze %dma_wait3A_99 : memref<1x40x128xi32, #tpu.memory_space<hbm>> -> memref<40x128xi32, #tpu.memory_space<hbm>>
      tpu.wait_dma2 semaphore(%run_scoped3A : memref<!tpu.dma_semaphore, #tpu.memory_space<semaphore_mem>>) src(%dma_wait3A_100 : memref<40x128xi32, #tpu.memory_space<hbm>>) dst(%arg5 : memref<40x128xi32, #tpu.memory_space<vmem>>)
      tpu.yield
    }) : () -> ()
    %scan3A = arith.constant 0 : i32
    %scan3A_1 = arith.constant 0 : i32
    %scan3A_2 = arith.constant 40 : i32
    %scan3A_3 = arith.addi %scan3A_1, %scan3A_2 : i32
    %scan3A_4 = arith.constant 1 : i32
    %scan3A_5 = scf.for %scan3A_86 = %scan3A_1 to %scan3A_3 step %scan3A_4 iter_args(%scan3A_87 = %scan3A) -> (i32)  : i32 {
      %dma_start3A = arith.constant 0 : i32
      %dma_start3A_88 = tpu.memref_slice %arg6[%scan3A_86, %dma_start3A] : memref<40x128xf32, #tpu.memory_space<vmem>> -> memref<1x128xf32, #tpu.memory_space<vmem>>
      %dma_start3A_89 = tpu.memref_squeeze %dma_start3A_88 : memref<1x128xf32, #tpu.memory_space<vmem>> -> memref<128xf32, #tpu.memory_space<vmem>>
      %dma_start3A_90 = arith.constant 0 : i32
      %dma_start3A_91 = tpu.memref_slice %arg5[%scan3A_86, %dma_start3A_90] : memref<40x128xi32, #tpu.memory_space<vmem>> -> memref<1x128xi32, #tpu.memory_space<vmem>>
      %dma_start3A_92 = tpu.memref_squeeze %dma_start3A_91 : memref<1x128xi32, #tpu.memory_space<vmem>> -> memref<128xi32, #tpu.memory_space<vmem>>
      %dma_start3A_93 = arith.constant 0 : i32
      %dma_start3A_94 = tpu.memref_slice %arg2[%dma_start3A_93] : memref<100000000xf32, #tpu.memory_space<hbm>> -> memref<100000000xf32, #tpu.memory_space<hbm>>
      tpu.enqueue_indirect_dma source(%dma_start3A_94 : memref<100000000xf32, #tpu.memory_space<hbm>>) target(%dma_start3A_89 : memref<128xf32, #tpu.memory_space<vmem>>) offsets(%dma_start3A_92 : memref<128xi32, #tpu.memory_space<vmem>>) semaphore(%arg7 : memref<!tpu.dma_semaphore, #tpu.memory_space<semaphore_mem>>)
      %ge3A = arith.constant 8 : i32
      %ge3A_95 = arith.cmpi sge, %scan3A_86, %ge3A : i32
      %convert_element_type3A = arith.extui %ge3A_95 : i1 to i32
      %cond3A = arith.constant 0 : i32
      %cond3A_96 = arith.cmpi ne, %convert_element_type3A, %cond3A : i32
      scf.if %cond3A_96 {
        %dma_wait3A_98 = arith.constant 0 : i32
        %dma_wait3A_99 = arith.constant 0 : i32
        %dma_wait3A_100 = arith.constant 0 : i32
        %dma_wait3A_101 = tpu.memref_slice %arg6[%dma_wait3A_99, %dma_wait3A_100] : memref<40x128xf32, #tpu.memory_space<vmem>> -> memref<1x128xf32, #tpu.memory_space<vmem>>
        %dma_wait3A_102 = tpu.memref_squeeze %dma_wait3A_101 : memref<1x128xf32, #tpu.memory_space<vmem>> -> memref<128xf32, #tpu.memory_space<vmem>>
        %dma_wait3A_103 = arith.constant 0 : i32
        %dma_wait3A_104 = tpu.memref_slice %arg5[%dma_wait3A_98, %dma_wait3A_103] : memref<40x128xi32, #tpu.memory_space<vmem>> -> memref<1x128xi32, #tpu.memory_space<vmem>>
        %dma_wait3A_105 = tpu.memref_squeeze %dma_wait3A_104 : memref<1x128xi32, #tpu.memory_space<vmem>> -> memref<128xi32, #tpu.memory_space<vmem>>
        %dma_wait3A_106 = arith.constant 0 : i32
        %dma_wait3A_107 = tpu.memref_slice %arg2[%dma_wait3A_106] : memref<100000000xf32, #tpu.memory_space<hbm>> -> memref<100000000xf32, #tpu.memory_space<hbm>>
        tpu.wait_indirect_dma semaphore(%arg7 : memref<!tpu.dma_semaphore, #tpu.memory_space<semaphore_mem>>) src(%dma_wait3A_107 : memref<100000000xf32, #tpu.memory_space<hbm>>) dst(%dma_wait3A_102 : memref<128xf32, #tpu.memory_space<vmem>>)
      } else {
      }
      %scan3A_97 = arith.constant 0 : i32
      scf.yield %scan3A_97 : i32
    }
    %scan3A_6 = arith.constant 40 : i32
    %dma_wait3A = arith.constant 0 : i32
    %dma_wait3A_7 = arith.constant 0 : i32
    %dma_wait3A_8 = arith.constant 0 : i32
    %dma_wait3A_9 = tpu.memref_slice %arg6[%dma_wait3A_7, %dma_wait3A_8] : memref<40x128xf32, #tpu.memory_space<vmem>> -> memref<1x128xf32, #tpu.memory_space<vmem>>
    %dma_wait3A_10 = tpu.memref_squeeze %dma_wait3A_9 : memref<1x128xf32, #tpu.memory_space<vmem>> -> memref<128xf32, #tpu.memory_space<vmem>>
    %dma_wait3A_11 = arith.constant 0 : i32
    %dma_wait3A_12 = tpu.memref_slice %arg5[%dma_wait3A, %dma_wait3A_11] : memref<40x128xi32, #tpu.memory_space<vmem>> -> memref<1x128xi32, #tpu.memory_space<vmem>>
    %dma_wait3A_13 = tpu.memref_squeeze %dma_wait3A_12 : memref<1x128xi32, #tpu.memory_space<vmem>> -> memref<128xi32, #tpu.memory_space<vmem>>
    %dma_wait3A_14 = arith.constant 0 : i32
    %dma_wait3A_15 = tpu.memref_slice %arg2[%dma_wait3A_14] : memref<100000000xf32, #tpu.memory_space<hbm>> -> memref<100000000xf32, #tpu.memory_space<hbm>>
    tpu.wait_indirect_dma semaphore(%arg7 : memref<!tpu.dma_semaphore, #tpu.memory_space<semaphore_mem>>) src(%dma_wait3A_15 : memref<100000000xf32, #tpu.memory_space<hbm>>) dst(%dma_wait3A_10 : memref<128xf32, #tpu.memory_space<vmem>>)
    %dma_wait3A_16 = arith.constant 0 : i32
    %dma_wait3A_17 = arith.constant 0 : i32
    %dma_wait3A_18 = arith.constant 0 : i32
    %dma_wait3A_19 = tpu.memref_slice %arg6[%dma_wait3A_17, %dma_wait3A_18] : memref<40x128xf32, #tpu.memory_space<vmem>> -> memref<1x128xf32, #tpu.memory_space<vmem>>
    %dma_wait3A_20 = tpu.memref_squeeze %dma_wait3A_19 : memref<1x128xf32, #tpu.memory_space<vmem>> -> memref<128xf32, #tpu.memory_space<vmem>>
    %dma_wait3A_21 = arith.constant 0 : i32
    %dma_wait3A_22 = tpu.memref_slice %arg5[%dma_wait3A_16, %dma_wait3A_21] : memref<40x128xi32, #tpu.memory_space<vmem>> -> memref<1x128xi32, #tpu.memory_space<vmem>>
    %dma_wait3A_23 = tpu.memref_squeeze %dma_wait3A_22 : memref<1x128xi32, #tpu.memory_space<vmem>> -> memref<128xi32, #tpu.memory_space<vmem>>
    %dma_wait3A_24 = arith.constant 0 : i32
    %dma_wait3A_25 = tpu.memref_slice %arg2[%dma_wait3A_24] : memref<100000000xf32, #tpu.memory_space<hbm>> -> memref<100000000xf32, #tpu.memory_space<hbm>>
    tpu.wait_indirect_dma semaphore(%arg7 : memref<!tpu.dma_semaphore, #tpu.memory_space<semaphore_mem>>) src(%dma_wait3A_25 : memref<100000000xf32, #tpu.memory_space<hbm>>) dst(%dma_wait3A_20 : memref<128xf32, #tpu.memory_space<vmem>>)
    %dma_wait3A_26 = arith.constant 0 : i32
    %dma_wait3A_27 = arith.constant 0 : i32
    %dma_wait3A_28 = arith.constant 0 : i32
    %dma_wait3A_29 = tpu.memref_slice %arg6[%dma_wait3A_27, %dma_wait3A_28] : memref<40x128xf32, #tpu.memory_space<vmem>> -> memref<1x128xf32, #tpu.memory_space<vmem>>
    %dma_wait3A_30 = tpu.memref_squeeze %dma_wait3A_29 : memref<1x128xf32, #tpu.memory_space<vmem>> -> memref<128xf32, #tpu.memory_space<vmem>>
    %dma_wait3A_31 = arith.constant 0 : i32
    %dma_wait3A_32 = tpu.memref_slice %arg5[%dma_wait3A_26, %dma_wait3A_31] : memref<40x128xi32, #tpu.memory_space<vmem>> -> memref<1x128xi32, #tpu.memory_space<vmem>>
    %dma_wait3A_33 = tpu.memref_squeeze %dma_wait3A_32 : memref<1x128xi32, #tpu.memory_space<vmem>> -> memref<128xi32, #tpu.memory_space<vmem>>
    %dma_wait3A_34 = arith.constant 0 : i32
    %dma_wait3A_35 = tpu.memref_slice %arg2[%dma_wait3A_34] : memref<100000000xf32, #tpu.memory_space<hbm>> -> memref<100000000xf32, #tpu.memory_space<hbm>>
    tpu.wait_indirect_dma semaphore(%arg7 : memref<!tpu.dma_semaphore, #tpu.memory_space<semaphore_mem>>) src(%dma_wait3A_35 : memref<100000000xf32, #tpu.memory_space<hbm>>) dst(%dma_wait3A_30 : memref<128xf32, #tpu.memory_space<vmem>>)
    %dma_wait3A_36 = arith.constant 0 : i32
    %dma_wait3A_37 = arith.constant 0 : i32
    %dma_wait3A_38 = arith.constant 0 : i32
    %dma_wait3A_39 = tpu.memref_slice %arg6[%dma_wait3A_37, %dma_wait3A_38] : memref<40x128xf32, #tpu.memory_space<vmem>> -> memref<1x128xf32, #tpu.memory_space<vmem>>
    %dma_wait3A_40 = tpu.memref_squeeze %dma_wait3A_39 : memref<1x128xf32, #tpu.memory_space<vmem>> -> memref<128xf32, #tpu.memory_space<vmem>>
    %dma_wait3A_41 = arith.constant 0 : i32
    %dma_wait3A_42 = tpu.memref_slice %arg5[%dma_wait3A_36, %dma_wait3A_41] : memref<40x128xi32, #tpu.memory_space<vmem>> -> memref<1x128xi32, #tpu.memory_space<vmem>>
    %dma_wait3A_43 = tpu.memref_squeeze %dma_wait3A_42 : memref<1x128xi32, #tpu.memory_space<vmem>> -> memref<128xi32, #tpu.memory_space<vmem>>
    %dma_wait3A_44 = arith.constant 0 : i32
    %dma_wait3A_45 = tpu.memref_slice %arg2[%dma_wait3A_44] : memref<100000000xf32, #tpu.memory_space<hbm>> -> memref<100000000xf32, #tpu.memory_space<hbm>>
    tpu.wait_indirect_dma semaphore(%arg7 : memref<!tpu.dma_semaphore, #tpu.memory_space<semaphore_mem>>) src(%dma_wait3A_45 : memref<100000000xf32, #tpu.memory_space<hbm>>) dst(%dma_wait3A_40 : memref<128xf32, #tpu.memory_space<vmem>>)
    %dma_wait3A_46 = arith.constant 0 : i32
    %dma_wait3A_47 = arith.constant 0 : i32
    %dma_wait3A_48 = arith.constant 0 : i32
    %dma_wait3A_49 = tpu.memref_slice %arg6[%dma_wait3A_47, %dma_wait3A_48] : memref<40x128xf32, #tpu.memory_space<vmem>> -> memref<1x128xf32, #tpu.memory_space<vmem>>
    %dma_wait3A_50 = tpu.memref_squeeze %dma_wait3A_49 : memref<1x128xf32, #tpu.memory_space<vmem>> -> memref<128xf32, #tpu.memory_space<vmem>>
    %dma_wait3A_51 = arith.constant 0 : i32
    %dma_wait3A_52 = tpu.memref_slice %arg5[%dma_wait3A_46, %dma_wait3A_51] : memref<40x128xi32, #tpu.memory_space<vmem>> -> memref<1x128xi32, #tpu.memory_space<vmem>>
    %dma_wait3A_53 = tpu.memref_squeeze %dma_wait3A_52 : memref<1x128xi32, #tpu.memory_space<vmem>> -> memref<128xi32, #tpu.memory_space<vmem>>
    %dma_wait3A_54 = arith.constant 0 : i32
    %dma_wait3A_55 = tpu.memref_slice %arg2[%dma_wait3A_54] : memref<100000000xf32, #tpu.memory_space<hbm>> -> memref<100000000xf32, #tpu.memory_space<hbm>>
    tpu.wait_indirect_dma semaphore(%arg7 : memref<!tpu.dma_semaphore, #tpu.memory_space<semaphore_mem>>) src(%dma_wait3A_55 : memref<100000000xf32, #tpu.memory_space<hbm>>) dst(%dma_wait3A_50 : memref<128xf32, #tpu.memory_space<vmem>>)
    %dma_wait3A_56 = arith.constant 0 : i32
    %dma_wait3A_57 = arith.constant 0 : i32
    %dma_wait3A_58 = arith.constant 0 : i32
    %dma_wait3A_59 = tpu.memref_slice %arg6[%dma_wait3A_57, %dma_wait3A_58] : memref<40x128xf32, #tpu.memory_space<vmem>> -> memref<1x128xf32, #tpu.memory_space<vmem>>
    %dma_wait3A_60 = tpu.memref_squeeze %dma_wait3A_59 : memref<1x128xf32, #tpu.memory_space<vmem>> -> memref<128xf32, #tpu.memory_space<vmem>>
    %dma_wait3A_61 = arith.constant 0 : i32
    %dma_wait3A_62 = tpu.memref_slice %arg5[%dma_wait3A_56, %dma_wait3A_61] : memref<40x128xi32, #tpu.memory_space<vmem>> -> memref<1x128xi32, #tpu.memory_space<vmem>>
    %dma_wait3A_63 = tpu.memref_squeeze %dma_wait3A_62 : memref<1x128xi32, #tpu.memory_space<vmem>> -> memref<128xi32, #tpu.memory_space<vmem>>
    %dma_wait3A_64 = arith.constant 0 : i32
    %dma_wait3A_65 = tpu.memref_slice %arg2[%dma_wait3A_64] : memref<100000000xf32, #tpu.memory_space<hbm>> -> memref<100000000xf32, #tpu.memory_space<hbm>>
    tpu.wait_indirect_dma semaphore(%arg7 : memref<!tpu.dma_semaphore, #tpu.memory_space<semaphore_mem>>) src(%dma_wait3A_65 : memref<100000000xf32, #tpu.memory_space<hbm>>) dst(%dma_wait3A_60 : memref<128xf32, #tpu.memory_space<vmem>>)
    %dma_wait3A_66 = arith.constant 0 : i32
    %dma_wait3A_67 = arith.constant 0 : i32
    %dma_wait3A_68 = arith.constant 0 : i32
    %dma_wait3A_69 = tpu.memref_slice %arg6[%dma_wait3A_67, %dma_wait3A_68] : memref<40x128xf32, #tpu.memory_space<vmem>> -> memref<1x128xf32, #tpu.memory_space<vmem>>
    %dma_wait3A_70 = tpu.memref_squeeze %dma_wait3A_69 : memref<1x128xf32, #tpu.memory_space<vmem>> -> memref<128xf32, #tpu.memory_space<vmem>>
    %dma_wait3A_71 = arith.constant 0 : i32
    %dma_wait3A_72 = tpu.memref_slice %arg5[%dma_wait3A_66, %dma_wait3A_71] : memref<40x128xi32, #tpu.memory_space<vmem>> -> memref<1x128xi32, #tpu.memory_space<vmem>>
    %dma_wait3A_73 = tpu.memref_squeeze %dma_wait3A_72 : memref<1x128xi32, #tpu.memory_space<vmem>> -> memref<128xi32, #tpu.memory_space<vmem>>
    %dma_wait3A_74 = arith.constant 0 : i32
    %dma_wait3A_75 = tpu.memref_slice %arg2[%dma_wait3A_74] : memref<100000000xf32, #tpu.memory_space<hbm>> -> memref<100000000xf32, #tpu.memory_space<hbm>>
    tpu.wait_indirect_dma semaphore(%arg7 : memref<!tpu.dma_semaphore, #tpu.memory_space<semaphore_mem>>) src(%dma_wait3A_75 : memref<100000000xf32, #tpu.memory_space<hbm>>) dst(%dma_wait3A_70 : memref<128xf32, #tpu.memory_space<vmem>>)
    %dma_wait3A_76 = arith.constant 0 : i32
    %dma_wait3A_77 = arith.constant 0 : i32
    %dma_wait3A_78 = arith.constant 0 : i32
    %dma_wait3A_79 = tpu.memref_slice %arg6[%dma_wait3A_77, %dma_wait3A_78] : memref<40x128xf32, #tpu.memory_space<vmem>> -> memref<1x128xf32, #tpu.memory_space<vmem>>
    %dma_wait3A_80 = tpu.memref_squeeze %dma_wait3A_79 : memref<1x128xf32, #tpu.memory_space<vmem>> -> memref<128xf32, #tpu.memory_space<vmem>>
    %dma_wait3A_81 = arith.constant 0 : i32
    %dma_wait3A_82 = tpu.memref_slice %arg5[%dma_wait3A_76, %dma_wait3A_81] : memref<40x128xi32, #tpu.memory_space<vmem>> -> memref<1x128xi32, #tpu.memory_space<vmem>>
    %dma_wait3A_83 = tpu.memref_squeeze %dma_wait3A_82 : memref<1x128xi32, #tpu.memory_space<vmem>> -> memref<128xi32, #tpu.memory_space<vmem>>
    %dma_wait3A_84 = arith.constant 0 : i32
    %dma_wait3A_85 = tpu.memref_slice %arg2[%dma_wait3A_84] : memref<100000000xf32, #tpu.memory_space<hbm>> -> memref<100000000xf32, #tpu.memory_space<hbm>>
    tpu.wait_indirect_dma semaphore(%arg7 : memref<!tpu.dma_semaphore, #tpu.memory_space<semaphore_mem>>) src(%dma_wait3A_85 : memref<100000000xf32, #tpu.memory_space<hbm>>) dst(%dma_wait3A_80 : memref<128xf32, #tpu.memory_space<vmem>>)
    "tpu.region"() ({
      %run_scoped3A = tpu.sem_alloc : memref<!tpu.dma_semaphore, #tpu.memory_space<semaphore_mem>>
      %dma_start3A = arith.constant 0 : i32
      %dma_start3A_86 = arith.constant 0 : i32
      %dma_start3A_87 = tpu.memref_slice %arg4[%add3A, %dma_start3A, %dma_start3A_86] : memref<32x40x128xf32, #tpu.memory_space<hbm>> -> memref<1x40x128xf32, #tpu.memory_space<hbm>>
      %dma_start3A_88 = tpu.memref_squeeze %dma_start3A_87 : memref<1x40x128xf32, #tpu.memory_space<hbm>> -> memref<40x128xf32, #tpu.memory_space<hbm>>
      %dma_start3A_89 = arith.constant 0 : i32
      %dma_start3A_90 = arith.constant 0 : i32
      %dma_start3A_91 = tpu.memref_slice %arg4[%add3A, %dma_start3A_89, %dma_start3A_90] : memref<32x40x128xf32, #tpu.memory_space<hbm>> -> memref<1x40x128xf32, #tpu.memory_space<hbm>>
      %dma_start3A_92 = tpu.memref_squeeze %dma_start3A_91 : memref<1x40x128xf32, #tpu.memory_space<hbm>> -> memref<40x128xf32, #tpu.memory_space<hbm>>
      tpu.enqueue_dma source(%arg6 : memref<40x128xf32, #tpu.memory_space<vmem>>) target(%dma_start3A_92 : memref<40x128xf32, #tpu.memory_space<hbm>>) target_semaphore(%run_scoped3A : memref<!tpu.dma_semaphore, #tpu.memory_space<semaphore_mem>>)
      %dma_wait3A_93 = arith.constant 0 : i32
      %dma_wait3A_94 = arith.constant 0 : i32
      %dma_wait3A_95 = tpu.memref_slice %arg4[%add3A, %dma_wait3A_93, %dma_wait3A_94] : memref<32x40x128xf32, #tpu.memory_space<hbm>> -> memref<1x40x128xf32, #tpu.memory_space<hbm>>
      %dma_wait3A_96 = tpu.memref_squeeze %dma_wait3A_95 : memref<1x40x128xf32, #tpu.memory_space<hbm>> -> memref<40x128xf32, #tpu.memory_space<hbm>>
      %dma_wait3A_97 = arith.constant 0 : i32
      %dma_wait3A_98 = arith.constant 0 : i32
      %dma_wait3A_99 = tpu.memref_slice %arg4[%add3A, %dma_wait3A_97, %dma_wait3A_98] : memref<32x40x128xf32, #tpu.memory_space<hbm>> -> memref<1x40x128xf32, #tpu.memory_space<hbm>>
      %dma_wait3A_100 = tpu.memref_squeeze %dma_wait3A_99 : memref<1x40x128xf32, #tpu.memory_space<hbm>> -> memref<40x128xf32, #tpu.memory_space<hbm>>
      tpu.wait_dma2 semaphore(%run_scoped3A : memref<!tpu.dma_semaphore, #tpu.memory_space<semaphore_mem>>) src(%arg6 : memref<40x128xf32, #tpu.memory_space<vmem>>) dst(%dma_wait3A_100 : memref<40x128xf32, #tpu.memory_space<hbm>>)
      tpu.yield
    }) : () -> ()
    return
  }
}

module attributes {stable_mosaic.version = 14 : i64} {
  func.func @_rows_mm_kernel(%arg0: i32, %arg1: memref<2000x256xf32, #tpu.memory_space<vmem>>, %arg2: memref<256x256xf32, #tpu.memory_space<vmem>>, %arg3: memref<2000x256xbf16, #tpu.memory_space<vmem>>) attributes {dimension_semantics = [#tpu.dimension_semantics<parallel>], iteration_bounds = array<i64: 5>, scalar_prefetch = 0 : i64, scratch_operands = 0 : i64, tpu.core_type = #tpu.core_type<tc>, window_params = [{transform_indices = @transform_0, window_bounds = array<i64: 2000, 256>}, {pipeline_mode = #tpu.pipeline_mode<synchronous>, transform_indices = @transform_1, window_bounds = array<i64: 256, 256>}, {transform_indices = @transform_2, window_bounds = array<i64: 2000, 256>}]} {
    %get3A = arith.constant 0 : index
    %get3A_0 = arith.constant 0 : index
    %get3A_1 = vector.load %arg1[%get3A, %get3A_0] : memref<2000x256xf32, #tpu.memory_space<vmem>>, vector<2000x256xf32>
    %get3A_2 = arith.constant 0 : index
    %get3A_3 = arith.constant 0 : index
    %get3A_4 = vector.load %arg2[%get3A_2, %get3A_3] : memref<256x256xf32, #tpu.memory_space<vmem>>, vector<256x256xf32>
    %dot_general3A = arith.constant dense<0.000000e+00> : vector<2000x256xf32>
    %dot_general3A_5 = tpu.matmul %get3A_1, %get3A_4, %dot_general3A {dimension_numbers = #tpu.dot_dimension_numbers<[1], [0], [0], [1], [0, 0, 1, 1], [], []>, transpose_lhs_hint = false} : vector<2000x256xf32>, vector<256x256xf32>, vector<2000x256xf32> -> vector<2000x256xf32>
    %convert_element_type3A = arith.truncf %dot_general3A_5 : vector<2000x256xf32> to vector<2000x256xbf16>
    %swap3A = arith.constant 0 : index
    %swap3A_6 = arith.constant 0 : index
    %swap3A_7 = vector.load %arg3[%swap3A, %swap3A_6] : memref<2000x256xbf16, #tpu.memory_space<vmem>>, vector<2000x256xbf16>
    tpu.vector_store %arg3[%swap3A, %swap3A_6], %convert_element_type3A {strides = array<i32>} : memref<2000x256xbf16, #tpu.memory_space<vmem>>, vector<2000x256xbf16>,
    return
  }
  func.func @transform_0(%arg0: i32) -> (i32, i32) {
    %c0_i32 = arith.constant 0 : i32
    %c0_i32_0 = arith.constant 0 : i32
    return %arg0, %c0_i32 : i32, i32
  }
  func.func @transform_1(%arg0: i32) -> (i32, i32) {
    %c0_i32 = arith.constant 0 : i32
    %c0_i32_0 = arith.constant 0 : i32
    %c0_i32_1 = arith.constant 0 : i32
    return %c0_i32, %c0_i32_0 : i32, i32
  }
  func.func @transform_2(%arg0: i32) -> (i32, i32) {
    %c0_i32 = arith.constant 0 : i32
    %c0_i32_0 = arith.constant 0 : i32
    return %arg0, %c0_i32 : i32, i32
  }
}

module attributes {stable_mosaic.version = 14 : i64} {
  func.func @_h1q_kernel(%arg0: i32, %arg1: memref<400x10000xf32, #tpu.memory_space<vmem>>, %arg2: memref<10000x256xbf16, #tpu.memory_space<vmem>>, %arg3: memref<256x128xbf16, #tpu.memory_space<vmem>>, %arg4: memref<400x128xbf16, #tpu.memory_space<vmem>>) attributes {dimension_semantics = [#tpu.dimension_semantics<parallel>], iteration_bounds = array<i64: 25>, scalar_prefetch = 0 : i64, scratch_operands = 0 : i64, tpu.core_type = #tpu.core_type<tc>, window_params = [{transform_indices = @transform_0, window_bounds = array<i64: 400, 10000>}, {pipeline_mode = #tpu.pipeline_mode<synchronous>, transform_indices = @transform_1, window_bounds = array<i64: 10000, 256>}, {pipeline_mode = #tpu.pipeline_mode<synchronous>, transform_indices = @transform_2, window_bounds = array<i64: 256, 128>}, {transform_indices = @transform_3, window_bounds = array<i64: 400, 128>}]} {
    %get3A = arith.constant 0 : index
    %get3A_0 = arith.constant 0 : index
    %get3A_1 = vector.load %arg1[%get3A, %get3A_0] : memref<400x10000xf32, #tpu.memory_space<vmem>>, vector<400x10000xf32>
    %convert_element_type3A = arith.truncf %get3A_1 : vector<400x10000xf32> to vector<400x10000xbf16>
    %get3A_2 = arith.constant 0 : index
    %get3A_3 = arith.constant 0 : index
    %get3A_4 = vector.load %arg2[%get3A_2, %get3A_3] : memref<10000x256xbf16, #tpu.memory_space<vmem>>, vector<10000x256xbf16>
    %dot_general3A = arith.constant dense<0.000000e+00> : vector<400x256xf32>
    %dot_general3A_5 = tpu.matmul %convert_element_type3A, %get3A_4, %dot_general3A {dimension_numbers = #tpu.dot_dimension_numbers<[1], [0], [0], [1], [0, 0, 1, 1], [], []>, transpose_lhs_hint = false} : vector<400x10000xbf16>, vector<10000x256xbf16>, vector<400x256xf32> -> vector<400x256xf32>
    %max3A = arith.constant 0.000000e+00 : f32
    %max3A_6 = vector.broadcast %max3A : f32 to vector<400x256xf32>
    %max3A_7 = arith.maximumf %dot_general3A_5, %max3A_6 : vector<400x256xf32>
    %convert_element_type3A_8 = arith.truncf %max3A_7 : vector<400x256xf32> to vector<400x256xbf16>
    %get3A_9 = arith.constant 0 : index
    %get3A_10 = arith.constant 0 : index
    %get3A_11 = vector.load %arg3[%get3A_9, %get3A_10] : memref<256x128xbf16, #tpu.memory_space<vmem>>, vector<256x128xbf16>
    %dot_general3A_12 = arith.constant dense<0.000000e+00> : vector<400x128xf32>
    %dot_general3A_13 = tpu.matmul %convert_element_type3A_8, %get3A_11, %dot_general3A_12 {dimension_numbers = #tpu.dot_dimension_numbers<[1], [0], [0], [1], [0, 0, 1, 1], [], []>, transpose_lhs_hint = false} : vector<400x256xbf16>, vector<256x128xbf16>, vector<400x128xf32> -> vector<400x128xf32>
    %convert_element_type3A_14 = arith.truncf %dot_general3A_13 : vector<400x128xf32> to vector<400x128xbf16>
    %swap3A = arith.constant 0 : index
    %swap3A_15 = arith.constant 0 : index
    %swap3A_16 = vector.load %arg4[%swap3A, %swap3A_15] : memref<400x128xbf16, #tpu.memory_space<vmem>>, vector<400x128xbf16>
    tpu.vector_store %arg4[%swap3A, %swap3A_15], %convert_element_type3A_14 {strides = array<i32>} : memref<400x128xbf16, #tpu.memory_space<vmem>>, vector<400x128xbf16>,
    return
  }
  func.func @transform_0(%arg0: i32) -> (i32, i32) {
    %c0_i32 = arith.constant 0 : i32
    %c0_i32_0 = arith.constant 0 : i32
    return %arg0, %c0_i32 : i32, i32
  }
  func.func @transform_1(%arg0: i32) -> (i32, i32) {
    %c0_i32 = arith.constant 0 : i32
    %c0_i32_0 = arith.constant 0 : i32
    %c0_i32_1 = arith.constant 0 : i32
    return %c0_i32, %c0_i32_0 : i32, i32
  }
  func.func @transform_2(%arg0: i32) -> (i32, i32) {
    %c0_i32 = arith.constant 0 : i32
    %c0_i32_0 = arith.constant 0 : i32
    %c0_i32_1 = arith.constant 0 : i32
    return %c0_i32, %c0_i32_0 : i32, i32
  }
  func.func @transform_3(%arg0: i32) -> (i32, i32) {
    %c0_i32 = arith.constant 0 : i32
    %c0_i32_0 = arith.constant 0 : i32
    return %arg0, %c0_i32 : i32, i32
  }
}

module attributes {stable_mosaic.version = 14 : i64} {
  func.func @_tail_kernel(%arg0: i32, %arg1: memref<400x10000xf32, #tpu.memory_space<vmem>>, %arg2: memref<10000x128xbf16, #tpu.memory_space<vmem>>, %arg3: memref<400x64xf32, #tpu.memory_space<vmem>>, %arg4: memref<64x64xf32, #tpu.memory_space<vmem>>, %arg5: memref<1x64xf32, #tpu.memory_space<vmem>>, %arg6: memref<64x1xf32, #tpu.memory_space<vmem>>, %arg7: memref<1x1xf32, #tpu.memory_space<vmem>>, %arg8: memref<400x64xf32, #tpu.memory_space<vmem>>, %arg9: memref<400x64xf32, #tpu.memory_space<vmem>>, %arg10: memref<400x64xf32, #tpu.memory_space<vmem>>, %arg11: memref<400x1xf32, #tpu.memory_space<vmem>>) attributes {dimension_semantics = [#tpu.dimension_semantics<parallel>], iteration_bounds = array<i64: 25>, scalar_prefetch = 0 : i64, scratch_operands = 0 : i64, tpu.core_type = #tpu.core_type<tc>, window_params = [{transform_indices = @transform_0, window_bounds = array<i64: 400, 10000>}, {pipeline_mode = #tpu.pipeline_mode<synchronous>, transform_indices = @transform_1, window_bounds = array<i64: 10000, 128>}, {transform_indices = @transform_2, window_bounds = array<i64: 400, 64>}, {pipeline_mode = #tpu.pipeline_mode<synchronous>, transform_indices = @transform_3, window_bounds = array<i64: 64, 64>}, {pipeline_mode = #tpu.pipeline_mode<synchronous>, transform_indices = @transform_4, window_bounds = array<i64: 1, 64>}, {pipeline_mode = #tpu.pipeline_mode<synchronous>, transform_indices = @transform_5, window_bounds = array<i64: 64, 1>}, {pipeline_mode = #tpu.pipeline_mode<synchronous>, transform_indices = @transform_6, window_bounds = array<i64: 1, 1>}, {transform_indices = @transform_7, window_bounds = array<i64: 400, 64>}, {transform_indices = @transform_8, window_bounds = array<i64: 400, 64>}, {transform_indices = @transform_9, window_bounds = array<i64: 400, 64>}, {transform_indices = @transform_10, window_bounds = array<i64: 400, 1>}]} {
    %get3A = arith.constant 0 : index
    %get3A_0 = arith.constant 0 : index
    %get3A_1 = vector.load %arg1[%get3A, %get3A_0] : memref<400x10000xf32, #tpu.memory_space<vmem>>, vector<400x10000xf32>
    %convert_element_type3A = arith.truncf %get3A_1 : vector<400x10000xf32> to vector<400x10000xbf16>
    %get3A_2 = arith.constant 0 : index
    %get3A_3 = arith.constant 0 : index
    %get3A_4 = vector.load %arg2[%get3A_2, %get3A_3] : memref<10000x128xbf16, #tpu.memory_space<vmem>>, vector<10000x128xbf16>
    %dot_general3A = arith.constant dense<0.000000e+00> : vector<400x128xf32>
    %dot_general3A_5 = tpu.matmul %convert_element_type3A, %get3A_4, %dot_general3A {dimension_numbers = #tpu.dot_dimension_numbers<[1], [0], [0], [1], [0, 0, 1, 1], [], []>, transpose_lhs_hint = false} : vector<400x10000xbf16>, vector<10000x128xbf16>, vector<400x128xf32> -> vector<400x128xf32>
    %slice3A = vector.extract_strided_slice %dot_general3A_5 {offsets = [0, 0], sizes = [400, 64], strides = [1, 1]} : vector<400x128xf32> to vector<400x64xf32>
    %slice3A_6 = vector.extract_strided_slice %dot_general3A_5 {offsets = [0, 64], sizes = [400, 64], strides = [1, 1]} : vector<400x128xf32> to vector<400x64xf32>
    %get3A_7 = arith.constant 0 : index
    %get3A_8 = arith.constant 0 : index
    %get3A_9 = vector.load %arg3[%get3A_7, %get3A_8] : memref<400x64xf32, #tpu.memory_space<vmem>>, vector<400x64xf32>
    %exp3A = math.exp %slice3A_6 : vector<400x64xf32>
    %mul3A = arith.mulf %get3A_9, %exp3A : vector<400x64xf32>
    %add3A = arith.addf %mul3A, %slice3A : vector<400x64xf32>
    %swap3A = arith.constant 0 : index
    %swap3A_10 = arith.constant 0 : index
    %swap3A_11 = vector.load %arg8[%swap3A, %swap3A_10] : memref<400x64xf32, #tpu.memory_space<vmem>>, vector<400x64xf32>
    tpu.vector_store %arg8[%swap3A, %swap3A_10], %slice3A {strides = array<i32>} : memref<400x64xf32, #tpu.memory_space<vmem>>, vector<400x64xf32>,
    %swap3A_12 = arith.constant 0 : index
    %swap3A_13 = arith.constant 0 : index
    %swap3A_14 = vector.load %arg9[%swap3A_12, %swap3A_13] : memref<400x64xf32, #tpu.memory_space<vmem>>, vector<400x64xf32>
    tpu.vector_store %arg9[%swap3A_12, %swap3A_13], %slice3A_6 {strides = array<i32>} : memref<400x64xf32, #tpu.memory_space<vmem>>, vector<400x64xf32>,
    %swap3A_15 = arith.constant 0 : index
    %swap3A_16 = arith.constant 0 : index
    %swap3A_17 = vector.load %arg10[%swap3A_15, %swap3A_16] : memref<400x64xf32, #tpu.memory_space<vmem>>, vector<400x64xf32>
    tpu.vector_store %arg10[%swap3A_15, %swap3A_16], %add3A {strides = array<i32>} : memref<400x64xf32, #tpu.memory_space<vmem>>, vector<400x64xf32>,
    %get3A_18 = arith.constant 0 : index
    %get3A_19 = arith.constant 0 : index
    %get3A_20 = vector.load %arg4[%get3A_18, %get3A_19] : memref<64x64xf32, #tpu.memory_space<vmem>>, vector<64x64xf32>
    %dot_general3A_21 = arith.constant dense<0.000000e+00> : vector<400x64xf32>
    %dot_general3A_22 = tpu.matmul %add3A, %get3A_20, %dot_general3A_21 {dimension_numbers = #tpu.dot_dimension_numbers<[1], [0], [0], [1], [0, 0, 1, 1], [], []>, transpose_lhs_hint = false} : vector<400x64xf32>, vector<64x64xf32>, vector<400x64xf32> -> vector<400x64xf32>
    %get3A_23 = arith.constant 0 : index
    %get3A_24 = arith.constant 0 : index
    %get3A_25 = vector.load %arg5[%get3A_23, %get3A_24] : memref<1x64xf32, #tpu.memory_space<vmem>>, vector<1x64xf32>
    %add3A_26 = vector.broadcast %get3A_25 : vector<1x64xf32> to vector<400x64xf32>
    %add3A_27 = arith.addf %dot_general3A_22, %add3A_26 : vector<400x64xf32>
    %max3A = arith.constant 0.000000e+00 : f32
    %max3A_28 = vector.broadcast %max3A : f32 to vector<400x64xf32>
    %max3A_29 = arith.maximumf %add3A_27, %max3A_28 : vector<400x64xf32>
    %get3A_30 = arith.constant 0 : index
    %get3A_31 = arith.constant 0 : index
    %get3A_32 = vector.load %arg6[%get3A_30, %get3A_31] : memref<64x1xf32, #tpu.memory_space<vmem>>, vector<64x1xf32>
    %dot_general3A_33 = arith.constant dense<0.000000e+00> : vector<400x1xf32>
    %dot_general3A_34 = tpu.matmul %max3A_29, %get3A_32, %dot_general3A_33 {dimension_numbers = #tpu.dot_dimension_numbers<[1], [0], [0], [1], [0, 0, 1, 1], [], []>, transpose_lhs_hint = false} : vector<400x64xf32>, vector<64x1xf32>, vector<400x1xf32> -> vector<400x1xf32>
    %get3A_35 = arith.constant 0 : index
    %get3A_36 = arith.constant 0 : index
    %get3A_37 = vector.load %arg7[%get3A_35, %get3A_36] : memref<1x1xf32, #tpu.memory_space<vmem>>, vector<1x1xf32>
    %add3A_38 = vector.broadcast %get3A_37 : vector<1x1xf32> to vector<400x1xf32>
    %add3A_39 = arith.addf %dot_general3A_34, %add3A_38 : vector<400x1xf32>
    %swap3A_40 = arith.constant 0 : index
    %swap3A_41 = arith.constant 0 : index
    %swap3A_42 = vector.load %arg11[%swap3A_40, %swap3A_41] : memref<400x1xf32, #tpu.memory_space<vmem>>, vector<400x1xf32>
    tpu.vector_store %arg11[%swap3A_40, %swap3A_41], %add3A_39 {strides = array<i32>} : memref<400x1xf32, #tpu.memory_space<vmem>>, vector<400x1xf32>,
    return
  }
  func.func @transform_0(%arg0: i32) -> (i32, i32) {
    %c0_i32 = arith.constant 0 : i32
    %c0_i32_0 = arith.constant 0 : i32
    return %arg0, %c0_i32 : i32, i32
  }
  func.func @transform_1(%arg0: i32) -> (i32, i32) {
    %c0_i32 = arith.constant 0 : i32
    %c0_i32_0 = arith.constant 0 : i32
    %c0_i32_1 = arith.constant 0 : i32
    return %c0_i32, %c0_i32_0 : i32, i32
  }
  func.func @transform_2(%arg0: i32) -> (i32, i32) {
    %c0_i32 = arith.constant 0 : i32
    %c0_i32_0 = arith.constant 0 : i32
    return %arg0, %c0_i32 : i32, i32
  }
  func.func @transform_3(%arg0: i32) -> (i32, i32) {
    %c0_i32 = arith.constant 0 : i32
    %c0_i32_0 = arith.constant 0 : i32
    %c0_i32_1 = arith.constant 0 : i32
    return %c0_i32, %c0_i32_0 : i32, i32
  }
  func.func @transform_4(%arg0: i32) -> (i32, i32) {
    %c0_i32 = arith.constant 0 : i32
    %c0_i32_0 = arith.constant 0 : i32
    %c0_i32_1 = arith.constant 0 : i32
    return %c0_i32, %c0_i32_0 : i32, i32
  }
  func.func @transform_5(%arg0: i32) -> (i32, i32) {
    %c0_i32 = arith.constant 0 : i32
    %c0_i32_0 = arith.constant 0 : i32
    %c0_i32_1 = arith.constant 0 : i32
    return %c0_i32, %c0_i32_0 : i32, i32
  }
  func.func @transform_6(%arg0: i32) -> (i32, i32) {
    %c0_i32 = arith.constant 0 : i32
    %c0_i32_0 = arith.constant 0 : i32
    %c0_i32_1 = arith.constant 0 : i32
    return %c0_i32, %c0_i32_0 : i32, i32
  }
  func.func @transform_7(%arg0: i32) -> (i32, i32) {
    %c0_i32 = arith.constant 0 : i32
    %c0_i32_0 = arith.constant 0 : i32
    return %arg0, %c0_i32 : i32, i32
  }
  func.func @transform_8(%arg0: i32) -> (i32, i32) {
    %c0_i32 = arith.constant 0 : i32
    %c0_i32_0 = arith.constant 0 : i32
    return %arg0, %c0_i32 : i32, i32
  }
  func.func @transform_9(%arg0: i32) -> (i32, i32) {
    %c0_i32 = arith.constant 0 : i32
    %c0_i32_0 = arith.constant 0 : i32
    return %arg0, %c0_i32 : i32, i32
  }
  func.func @transform_10(%arg0: i32) -> (i32, i32) {
    %c0_i32 = arith.constant 0 : i32
    %c0_i32_0 = arith.constant 0 : i32
    return %arg0, %c0_i32 : i32, i32
  }
}

module attributes {stable_mosaic.version = 14 : i64} {
  func.func @_recov_kernel(%arg0: i32, %arg1: memref<400x64xf32, #tpu.memory_space<vmem>>, %arg2: memref<64x10000xf32, #tpu.memory_space<vmem>>, %arg3: memref<400x10000xf32, #tpu.memory_space<vmem>>) attributes {dimension_semantics = [#tpu.dimension_semantics<parallel>], iteration_bounds = array<i64: 25>, scalar_prefetch = 0 : i64, scratch_operands = 0 : i64, tpu.core_type = #tpu.core_type<tc>, window_params = [{transform_indices = @transform_0, window_bounds = array<i64: 400, 64>}, {pipeline_mode = #tpu.pipeline_mode<synchronous>, transform_indices = @transform_1, window_bounds = array<i64: 64, 10000>}, {transform_indices = @transform_2, window_bounds = array<i64: 400, 10000>}]} {
    %get3A = arith.constant 0 : index
    %get3A_0 = arith.constant 0 : index
    %get3A_1 = vector.load %arg1[%get3A, %get3A_0] : memref<400x64xf32, #tpu.memory_space<vmem>>, vector<400x64xf32>
    %convert_element_type3A = arith.truncf %get3A_1 : vector<400x64xf32> to vector<400x64xbf16>
    %get3A_2 = arith.constant 0 : index
    %get3A_3 = arith.constant 0 : index
    %get3A_4 = vector.load %arg2[%get3A_2, %get3A_3] : memref<64x10000xf32, #tpu.memory_space<vmem>>, vector<64x10000xf32>
    %convert_element_type3A_5 = arith.truncf %get3A_4 : vector<64x10000xf32> to vector<64x10000xbf16>
    %dot_general3A = arith.constant dense<0.000000e+00> : vector<400x10000xf32>
    %dot_general3A_6 = tpu.matmul %convert_element_type3A, %convert_element_type3A_5, %dot_general3A {dimension_numbers = #tpu.dot_dimension_numbers<[1], [0], [0], [1], [0, 0, 1, 1], [], []>, transpose_lhs_hint = false} : vector<400x64xbf16>, vector<64x10000xbf16>, vector<400x10000xf32> -> vector<400x10000xf32>
    %swap3A = arith.constant 0 : index
    %swap3A_7 = arith.constant 0 : index
    %swap3A_8 = vector.load %arg3[%swap3A, %swap3A_7] : memref<400x10000xf32, #tpu.memory_space<vmem>>, vector<400x10000xf32>
    tpu.vector_store %arg3[%swap3A, %swap3A_7], %dot_general3A_6 {strides = array<i32>} : memref<400x10000xf32, #tpu.memory_space<vmem>>, vector<400x10000xf32>,
    return
  }
  func.func @transform_0(%arg0: i32) -> (i32, i32) {
    %c0_i32 = arith.constant 0 : i32
    %c0_i32_0 = arith.constant 0 : i32
    return %arg0, %c0_i32 : i32, i32
  }
  func.func @transform_1(%arg0: i32) -> (i32, i32) {
    %c0_i32 = arith.constant 0 : i32
    %c0_i32_0 = arith.constant 0 : i32
    %c0_i32_1 = arith.constant 0 : i32
    return %c0_i32, %c0_i32_0 : i32, i32
  }
  func.func @transform_2(%arg0: i32) -> (i32, i32) {
    %c0_i32 = arith.constant 0 : i32
    %c0_i32_0 = arith.constant 0 : i32
    return %arg0, %c0_i32 : i32, i32
  }
}

</mosaic_0001>

<sc_bundles>
// kernel: kernel.7.cloned.1.call-start
scs
__scs_entry_jumppad:
0x0: {  	(pc) =	sbr.rel $0x88, $3  }
0x1: {  	(tag) =	ssettag $0x0;
	lr =	simm.s32 $0x1  }
0x2: {  	[smem:$0x3F96] =	sst lr;
	_ =	strace $0xD0000000  }
0x3: {  	_ = 	snop  }
0x4: {  	_ = 	snop  }
0x5: {  	_ = 	snop  }
0x6: {  	_ = 	snop  }
0x7: {  	_ = 	snop  }
__scs_overlays_trampoline_lowered:
0x8: {  	[smem:$0x3FA5] =	sst s0  }
0x9: {  	[smem:$0x3FA6] =	sst s1  }
0xa: {  	[smem:$0x3FA7] =	sst s2  }
0xb: {  	[smem:$0x3FA8] =	sst s3  }
0xc: {  	[smem:$0x3FA9] =	sst s4  }
0xd: {  	[smem:$0x3FAA] =	sst s5  }
0xe: {  	[smem:$0x3FAB] =	sst s6  }
0xf: {  	[smem:$0x3FAC] =	sst s7  }
0x10: {  	[smem:$0x3FAD] =	sst s8  }
0x11: {  	[smem:$0x3FAE] =	sst s9;
	s0 =	simm.s32 @!p0 $0x0  }
0x12: {  	s1 =	sld [smem:$0x3F94];
	s0 =	simm.s32 @p0 $0x1  }
0x13: {  	[smem:$0x3FAF] =	sst s0;
	s0 =	simm.s32 @!p1 $0x0  }
0x14: {  	s2 =	sld [smem:$0x3F93];
	s0 =	simm.s32 @p1 $0x1  }
0x15: {  	[smem:$0x3FB0] =	sst s0;
	s0 =	simm.s32 @!p2 $0x0  }
0x16: {  	s3 =	sld [smem:$0x3FDB];
	s0 =	simm.s32 @p2 $0x1  }
0x17: {  	s4 =	simm.s32 $0x1BF5;
	[smem:$0x3FB2] =	sst s0  }
0x18: {  	s0 =	sld [smem:$0x3F95];
	_ =	swait.ge [sflag:s4], $0x0  }
0x19: {  	s7 =	sld [smem:$0x3F96]  }
0x1a: {  	s8 =	sadd.s32 $0xFFFFE003, lr  }
0x1b: {  	s9 =	sadd.s32 $0xFFFFFEF7, lr;
	s5 =	simm.s32 $0xFFFFFFFF;
	p2 =	slt.u32 s8, $0xFFFFF086  }
0x1c: {  	p1 =	slt.u32 s9, $0xF7A;
	s5 =	simm.s32 @!p2 $0x0  }
0x1d: {  	s5 =	simm.s32 @p1 $0x1;
	p0 =	seq.s32 s7, s2  }
0x1e: {  	s7 =	smul.u32 @!p0 $0xF7A, s2;
	p2 =	seq.s32 @!p0 s5, $0x0  }
0x1f: {  	s9 =	smul.u32 $0xF7A, s1;
	s8 =	simm.s32 @!p0 $0x1BF5;
	p2 =	por !p2, p0  }
0x20: {  	[sflag:s8] =	ssyncset.s32 @!p0 $0xFFFFF086;
	s6 =	sadd.s32 @!p0 s3, s7;
	s7 =	simm.s32 @!p0 $0x108  }
0x21: {  	s3 =	sadd.s32 s3, s9;
	s6 =	sadd.s32 @!p0 $0x88, s6;
	s7 =	simm.s32 @p2 $0x1082  }
0x22: {  	[simem:s7], [sflag:s8] =	dma.local @!p0 [hbm:s6], $0xF7A  }
0x23: {  	s9 =	sor.u32 $0xD0000000, s2;
	s6 =	simm.s32 $0x108;
	_ =	swait.ge @!p0 [sflag:s8], $0x0  }
0x24: {  	s3 =	sadd.s32 $0x88, s3;
	s6 =	simm.s32 @!p1 $0x1082;
	[sflag:s4] =	ssyncset.s32 $0xFFFFF086  }
0x25: {  	[simem:s6], [sflag:s4] =	dma.local [hbm:s3], $0xF7A  }
0x26: {  	[smem:$0x3F96] =	sst s1;
	(tag) =	ssettag s2;
	_ =	strace s9  }
0x27: {  	s1 =	sld [smem:$0x3FA6]  }
0x28: {  	s2 =	sld [smem:$0x3FA7]  }
0x29: {  	s4 =	sld [smem:$0x3FA9]  }
0x2a: {  	p0 =	seq.s32 s5, $0x0;
	s5 =	sld [smem:$0x3FAA]  }
0x2b: {  	s6 =	sld [smem:$0x3FAB]  }
0x2c: {  	s7 =	sld [smem:$0x3FAC]  }
0x2d: {  	s3 =	simm.s32 $0x108;
	s8 =	sld [smem:$0x3FAD]  }
0x2e: {  	s3 =	simm.s32 @!p0 $0x1082;
	s9 =	sld [smem:$0x3FAE]  }
0x2f: {  	lr =	sadd.s32 s0, s3;
	s0 =	sld [smem:$0x3FA5]  }
0x30: {  	s3 =	sld [smem:$0x3FA8]  }
0x31: {  	[smem:$0x3FB1] =	sst s10  }
0x32: {  	s10 =	sld [smem:$0x3FAF];
	_ =	sdelay $0x3  }
0x33: {  	p0 =	seq.s32 s10, $0x1;
	s10 =	sld [smem:$0x3FB1];
	_ =	sdelay $0x3  }
0x34: {  	[smem:$0x3FB1] =	sst s10  }
0x35: {  	s10 =	sld [smem:$0x3FB0];
	_ =	sdelay $0x3  }
0x36: {  	p1 =	seq.s32 s10, $0x1;
	s10 =	sld [smem:$0x3FB1];
	_ =	sdelay $0x3  }
0x37: {  	[smem:$0x3FB1] =	sst s10  }
0x38: {  	s10 =	sld [smem:$0x3FB2]  }
0x39: {  	_ = 	snop;
	(pc) =	sbr.ind lr, $3  }
0x3a: {  	_ = 	snop  }
0x3b: {  	_ = 	snop  }
0x3c: {  	p2 =	seq.s32 s10, $0x1;
	s10 =	sld [smem:$0x3FB1]  }
0x3d: {  	_ =	shalt  }
0x3e: {  	_ =	shalt  }
0x3f: {  	_ =	shalt  }
0x40: {  	_ =	shalt  }
0x41: {  	_ =	shalt  }
0x42: {  	_ =	shalt  }
0x43: {  	_ =	shalt  }
0x44: {  	_ =	shalt  }
0x45: {  	_ =	shalt  }
0x46: {  	_ =	shalt  }
0x47: {  	_ =	shalt  }
0x48: {  	_ =	shalt  }
0x49: {  	_ =	shalt  }
0x4a: {  	_ =	shalt  }
0x4b: {  	_ =	shalt  }
0x4c: {  	_ =	shalt  }
0x4d: {  	_ =	shalt  }
0x4e: {  	_ =	shalt  }
0x4f: {  	_ =	shalt  }
0x50: {  	_ =	shalt  }
0x51: {  	_ =	shalt  }
0x52: {  	_ =	shalt  }
0x53: {  	_ =	shalt  }
0x54: {  	_ =	shalt  }
0x55: {  	_ =	shalt  }
0x56: {  	_ =	shalt  }
0x57: {  	_ =	shalt  }
0x58: {  	_ =	shalt  }
0x59: {  	_ =	shalt  }
0x5a: {  	_ =	shalt  }
0x5b: {  	_ =	shalt  }
0x5c: {  	_ =	shalt  }
0x5d: {  	_ =	shalt  }
0x5e: {  	_ =	shalt  }
0x5f: {  	_ =	shalt  }
0x60: {  	_ =	shalt  }
0x61: {  	_ =	shalt  }
0x62: {  	_ =	shalt  }
0x63: {  	_ =	shalt  }
0x64: {  	_ =	shalt  }
0x65: {  	_ =	shalt  }
0x66: {  	_ =	shalt  }
0x67: {  	_ =	shalt  }
0x68: {  	_ =	shalt  }
0x69: {  	_ =	shalt  }
0x6a: {  	_ =	shalt  }
0x6b: {  	_ =	shalt  }
0x6c: {  	_ =	shalt  }
0x6d: {  	_ =	shalt  }
0x6e: {  	_ =	shalt  }
0x6f: {  	_ =	shalt  }
0x70: {  	_ =	shalt  }
0x71: {  	_ =	shalt  }
0x72: {  	_ =	shalt  }
0x73: {  	_ =	shalt  }
0x74: {  	_ =	shalt  }
0x75: {  	_ =	shalt  }
0x76: {  	_ =	shalt  }
0x77: {  	_ =	shalt  }
0x78: {  	_ =	shalt  }
0x79: {  	_ =	shalt  }
0x7a: {  	_ =	shalt  }
0x7b: {  	_ =	shalt  }
0x7c: {  	_ =	shalt  }
0x7d: {  	_ =	shalt  }
0x7e: {  	_ =	shalt  }
0x7f: {  	_ =	shalt  }
0x80: {  	_ =	shalt  }
0x81: {  	_ =	shalt  }
0x82: {  	_ =	shalt  }
0x83: {  	_ =	shalt  }
0x84: {  	_ =	shalt  }
0x85: {  	_ =	shalt  }
0x86: {  	_ =	shalt  }
0x87: {  	_ =	shalt  }
.Lfunc_end0:
.L_simem_size_0:
called_computation_lowered:
.L_overlay_start_0:
0x88: {  	s2 =	sld [smem:$0x3FD9]  }
0x89: {  	s3 =	sld [smem:$0x3FFE];
	_ =	sdelay $0x1  }
0x8a: {  	s1 =	srdreg.scid  }
0x8b: {  	s0 =	sand.u32 $0x1, s1  }
0x8c: {  	s16 =	sshll.u32 s0, $0xA;
	s2 =	sadd.s32 s3, s2  }
0x8d: {  	s2 =	sadd.s32 s2, s16  }
0x8e: {  	[smem:$0x3FBD] =	sst s2  }
0x8f: {  	_ = 	snop  }
0x90: {  	(tm) =	ssettm $0x1  }
0x91: {  	s17 =	sld [smem:$0x3FFB];
	_ =	sdelay $0x3  }
0x92: {  	_ =	strace s17  }
0x93: {  	s2 =	sld [smem:$0x3FFC];
	_ =	sdelay $0x3  }
0x94: {  	_ =	strace s2  }
0x95: {  	s2 =	sld [smem:$0x3FFD];
	_ =	sdelay $0x3  }
0x96: {  	_ =	strace s2  }
0x97: {  	_ =	strace $0x8FFFFFFF  }
0x98: {  	s18 =	sld [smem:$0x3FDB];
	_ =	sdelay $0x1  }
0x99: {  	s19 =	simm.s32 $_scs_section_size  }
0x9a: {  	s4 =	simm.s32 $_size__tile_overlayer_lowered;
	s5 =	simm.s32 $_tile_overlayer_lowered  }
0x9b: {  	s22 =	simm.s32 $0x1BFF;
	s21 =	sshll.u32 s5, $0x1;
	s2 =	sadd.s32 s19, s18  }
0x9c: {  	s6 =	simm.s32 $0x0;
	s20 =	sshll.u32 s4, $0x1;
	s4 =	sadd.s32 s21, s2  }
0x9d: {  	[timem:s6], [sflag:s22] =	dma.local [hbm:s4], s20  }
0x9e: {  	_ =	swait.ge [sflag:s22], s20  }
0x9f: {  	s3 =	ssub.s32 $0x0, s20;
	[sflag:s22] =	ssyncset.done $0x0  }
0xa0: {  	[sflag:s22] =	ssyncadd.s32 s3;
	_ =	sdelay $0x1  }
0xa1: {  	s23 =	simm.s32 $0x1B8B  }
0xa2: {  	_ =	swait.ge [sflag:s23], $0x1  }
0xa3: {  	[sflag:s23] =	ssyncset.done $0x0  }
0xa4: {  	s25 =	simm.s32 $0x1B8E;
	s24 =	sld [smem:$0x3FFE];
	[sflag:s23] =	ssyncadd.s32 $0xFFFFFFFF  }
0xa5: {  	s26 =	simm.s32 $execute0_lowered;
	[smem:$0x3FD2] =	sst s25  }
0xa6: {  	s4 =	sshll.u32 s26, $0x1;
	_ =	strace $0x80000046;
	[dreg:$0x1] =	wrdreg $0xFFFFFFFF  }
0xa7: {  	s28 =	simm.s32 $_size_execute0_lowered;
	s2 =	sadd.s32 s2, s4;
	[dreg:$0x0] =	wrdreg $0x0  }
0xa8: {  	s4 =	sshll.u32 s28, $0x1;
	[dreg:$0x2] =	wrdreg s2  }
0xa9: {  	[dreg:$0x3] =	wrdreg s4  }
0xaa: {  	[dreg:$0x4] =	wrdreg $0xC0  }
0xab: {  	_ =	task [dreg:s6], $0x5FFFF  }
0xac: {  	[dreg:$0x1] =	wrdreg $0xFFFFFFFF  }
0xad: {  	[dreg:$0x0] =	wrdreg $0x60  }
0xae: {  	[dreg:$0x2] =	wrdreg s24  }
0xaf: {  	[dreg:$0x3] =	wrdreg $0x9  }
0xb0: {  	_ =	task.clear_ibuf [dreg:s6], $0x4FFFF;
	_ =	strace $0x90000046  }
0xb1: {  	s29 =	simm.s32 $0x9;
	_ =	strace $0x80000048  }
0xb2: {  	_ =	swait.ge [sflag:s29], $0x1  }
0xb3: {  	[sflag:s29] =	ssyncadd.s32 $0xFFFFFFFF  }
0xb4: {  	_ =	strace $0x90000048  }
0xb5: {  	_ =	sfence  }
0xb6: {  	s30 =	sld [smem:$0x0];
	_ =	sdelay $0x2  }
0xb7: {  	s31 =	sshll.u32 s1, $0xD;
	s1 =	sshrl.u32 s1, $0x2  }
0xb8: {  	s3 =	sand.u32 $0x4000, s31;
	s1 =	sadd.s32 s1, s30  }
0xb9: {  	s0 =	sor.u32 s3, s0;
	s1 =	sshll.u32 s1, $0x11  }
0xba: {  	s0 =	sor.u32 s1, s0  }
0xbb: {  	s0 =	sadd.s32 $0x8F2B, s0  }
0xbc: {  	[sflag:s0] =	ssyncadd.remote.s32 $0x1  }
0xbd: {  	_ =	sfence.sel $0xFFFF  }
0xbe: {  	[dreg:$0x0] =	wrdreg $0xFFFFFFFF;
	(pc) =	sbr.abs _section_cstart, $3  }
0xbf: {  	[dreg:$0x1] =	wrdreg $0xFFFFFFFF  }
0xc0: {  	_ =	task.clear_ibuf [dreg:s6], $0x2FFFF;
	_ =	strace $0x9FFFFFFF  }
0xc1: {  	(tm) =	ssettm $0x7FFFFFFF  }
tec
execute0_lowered:
.L_overlay_start_1:
0x0: {  	(tag) =	ssettag $0x1  }
0x1: {  	s1 =	srdreg.scid  }
0x2: {  	s0 =	stileid.u32;
	s4 =	rddreg [dreg:$0x0]  }
0x3: {  	s2 =	simm.s32 $0x0;
	s7 =	simm.s32 $0x2;
	s8 =	simm.s32 $0x80  }
0x4: {  	s9 =	simm.s32 $0x1;
	s3 =	sand.u32 $0x1, s1;
	s5 =	sshll.u32 s0, $0x1  }
0x5: {  	s10 =	simm.s32 $0x1400;
	s11 =	simm.s32 $0x0;
	s5 =	sor.u32 s3, s5  }
0x6: {  	[smem:$0x7FF] =	sst s2;
	s6 =	ssub.s32 $0x2, s3;
	s5 =	smul.u32 $0x280, s5  }
0x7: {  	s1 =	rddreg [dreg:$0x1];
	_ =	strace $0x80000047;
	s31 =	sshrl.u32 s6, $0x1  }
0x8: {  	s3 =	sadd.s32 $0x77000, s4;
	s6 =	ssub.s32 s6, s31;
	s5 =	sadd.s32 s5, s4  }
0x9: {  	s6 =	smax.u32 s6, $0x1;
	s4 =	sadd.s32 $0xC62E00, s5;
	s5 =	sadd.s32 $0xC67E00, s5  }
.LBB2_1:
0xa: {  	[tilespmem:s2], [sflag:$0x2] =	stream.linear.gather [hbm4b:s4+s2], $0x1400, $0x38;
	[tilespmem:$0x2800] =	vst v63  }
0xb: {  	_ =	swait.ge [sflag:s7], $0x1400  }
0xc: {  	p0 =	por $0x1, $0x1;
	[sflag:s7] =	ssyncset.done $0x0  }
0xd: {  	s15 =	simm.s32 @!p0 $0x1;
	[sflag:s7] =	ssyncadd.s32 $0xFFFFEC00  }
0xe: {  	[tilespmem:s10], [sflag:$0x1] =	stream.indirect.gather [hbm4b:s3+s8], $0x1, s2, s8, $0xb8;
	[tilespmem:$0x2800] =	vst v63  }
0xf: {  	s12 =	simm.s32 $0x1;
	_ =	swait.ge @!p0 [sflag:s15], $0x80  }
0x10: {  	s13 =	simm.s32 $0x80;
	s14 =	simm.s32 $0x1400;
	[sflag:s15] =	ssyncset.done @!p0 $0x0  }
.LBB2_2:
0x11: {  	[sflag:s15] =	ssyncadd.s32 @!p0 $0xFFFFFF80  }
0x12: {  	s14 =	sadd.s32 $0x80, s14;
	s15 =	smov.u32 s12;
	s12 =	sadd.s32 $0x1, s12  }
0x13: {  	p1 =	sne.s32 s12, $0x28  }
0x14: {  	[tilespmem:s14], [sflag:$0x1] =	stream.indirect.gather [hbm4b:s3+s8], $0x1, s13, s8, $0xb8;
	[tilespmem:$0x2800] =	vst v63  }
.Ltmp0:
0x15: {  	_ = 	snop;
	(pc) =	sbr.rel @p1 .LBB2_2-.Ltmp0, $4  }
0x16: {  	p0 =	slt.u32 s15, $0x8  }
0x17: {  	s15 =	simm.s32 @!p0 $0x1  }
0x18: {  	_ =	swait.ge @!p0 [sflag:s15], $0x80  }
0x19: {  	s13 =	sadd.s32 $0x80, s13;
	[sflag:s15] =	ssyncset.done @!p0 $0x0  }
0x1a: {  	[sflag:s15] =	ssyncadd.s32 @!p0 $0xFFFFFF80  }
0x1b: {  	_ =	swait.ge [sflag:s9], $0x80  }
0x1c: {  	[sflag:s9] =	ssyncset.done $0x0  }
0x1d: {  	[sflag:s9] =	ssyncadd.s32 $0xFFFFFF80  }
0x1e: {  	_ =	swait.ge [sflag:s9], $0x80  }
0x1f: {  	[sflag:s9] =	ssyncset.done $0x0  }
0x20: {  	[sflag:s9] =	ssyncadd.s32 $0xFFFFFF80  }
0x21: {  	_ =	swait.ge [sflag:s9], $0x80  }
0x22: {  	[sflag:s9] =	ssyncset.done $0x0  }
0x23: {  	[sflag:s9] =	ssyncadd.s32 $0xFFFFFF80  }
0x24: {  	_ =	swait.ge [sflag:s9], $0x80  }
0x25: {  	[sflag:s9] =	ssyncset.done $0x0  }
0x26: {  	[sflag:s9] =	ssyncadd.s32 $0xFFFFFF80  }
0x27: {  	_ =	swait.ge [sflag:s9], $0x80  }
0x28: {  	[sflag:s9] =	ssyncset.done $0x0  }
0x29: {  	[sflag:s9] =	ssyncadd.s32 $0xFFFFFF80  }
0x2a: {  	_ =	swait.ge [sflag:s9], $0x80  }
0x2b: {  	[sflag:s9] =	ssyncset.done $0x0  }
0x2c: {  	[sflag:s9] =	ssyncadd.s32 $0xFFFFFF80  }
0x2d: {  	_ =	swait.ge [sflag:s9], $0x80  }
0x2e: {  	[sflag:s9] =	ssyncset.done $0x0  }
0x2f: {  	[sflag:s9] =	ssyncadd.s32 $0xFFFFFF80  }
0x30: {  	s11 =	sadd.s32 $0x1, s11;
	_ =	swait.ge [sflag:s9], $0x80  }
0x31: {  	p0 =	sne.s32 s11, s6;
	[sflag:s9] =	ssyncset.done $0x0  }
.Ltmp1:
0x32: {  	[sflag:s9] =	ssyncadd.s32 $0xFFFFFF80;
	(pc) =	sbr.rel @p0 .LBB2_1-.Ltmp1, $4  }
0x33: {  	[hbm4b:s5+s2] =	stream.linear.scatter [tilespmem:s10], [sflag:$0x2], $0x1400, $0x38;
	[tilespmem:$0x2800] =	vst v63  }
0x34: {  	_ =	swait.ge [sflag:s7], $0x1400  }
0x35: {  	[sflag:s7] =	ssyncset.done $0x0  }
0x36: {  	[sflag:s7] =	ssyncadd.s32 $0xFFFFEC00  }
0x37: {  	_ =	sfence.sel $0x180000  }
0x38: {  	[bflag:$0x0] =	sbarrier.arrive $0xFFFF  }
0x39: {  	p0 =	sne.s32 s0, $0x0;
	_ =	strace $0x90000047  }
0x3a: {  	s0 =	sadd.s32 @!p0 $0x100000, s1;
	[bflag:$0x2] =	sbarrier.arrive $0xFFFF  }
0x3b: {  	[sflag:s0] =	ssyncadd.tile.s32 @!p0 $0x1;
	_ =	shalt  }
.Lfunc_end2:
_tile_overlayer_lowered:
.L_overlay_start_2:
0x3c: {  	(tag) =	ssettag $0x2  }
0x3d: {  	s0 =	rddreg [dreg:$0x0];
	s2 =	stileid.u32  }
0x3e: {  	s1 =	rddreg [dreg:$0x1];
	p0 =	sne.s32 s2, $0x0  }
0x3f: {  	s3 =	rddreg [dreg:$0x2];
	[bflag:$0x3] =	sbarrier.arrive $0xFFFF;
	s2 =	simm.s32 @!p0 $0x1C02  }
0x40: {  	[timem:s3], [sflag:s2] =	dma.local @!p0 [hbm:s0], s1  }
0x41: {  	s0 =	simm.s32 @!p0 $0x2  }
0x42: {  	_ =	swait.ge @!p0 [sflag:s0], s1  }
0x43: {  	s1 =	ssub.s32 @!p0 $0x0, s1;
	[sflag:s0] =	ssyncset.done @!p0 $0x0  }
0x44: {  	[sflag:s0] =	ssyncadd.s32 @!p0 s1  }
0x45: {  	[bflag:$0x3] =	sbarrier.arrive $0xFFFF  }
0x46: {  	_ =	shalt  }

</sc_bundles>
